<compile_context>
chip_gen: v7x
topology: tpu7x:2x2x1
jax: 0.10.2.dev20260603
libtpu: 0.0.44.dev20260713+nightly
codegen_flags: <defaults>
</compile_context>

<pallas_src>
import functools

import jax
import jax.numpy as jnp
from jax import lax
from jax.experimental import pallas as pl
from jax.experimental.pallas import tpu as pltpu
from jax.experimental.pallas import tpu_sc as plsc

_B, _H, _W, _N = 8, 128, 128, 64
_HW = _H * _W
_L = 16
_NVREG = _HW // _L



def _sc_weights_body(prob_hbm, unc_hbm, w_hbm, prob_v, unc_v, w_v, cnt_s):
    c = lax.axis_index("c")
    s = lax.axis_index("s")
    wid = s * 2 + c
    active = wid < _B

    @pl.when(active)
    def _():
        pltpu.sync_copy(prob_hbm.at[wid], prob_v)
        pltpu.sync_copy(unc_hbm.at[wid], unc_v)
        cnt_s[0] = 0
        cnt_s[1] = 0

        def body(v, _):
            @pl.when(cnt_s[0] < _N)
            def _():
                count = cnt_s[0]
                p = prob_v[pl.ds(v * _L, _L)]
                m = p > 0.5
                cum = plsc.cumsum(m.astype(jnp.int32))
                rank = count + cum - 1
                ok = jnp.logical_and(m, rank < _N)
                u = unc_v[pl.ds(v * _L, _L)]
                plsc.store_scatter(w_v, [rank], jnp.exp(-u), mask=ok)
                cnt_s[0] = count + jnp.max(cum)

            return 0

        lax.fori_loop(0, _NVREG, body, 0)

        def body2(v, _):
            @pl.when(cnt_s[0] + cnt_s[1] < _N)
            def _():
                base = cnt_s[0] + cnt_s[1]
                p = prob_v[pl.ds(v * _L, _L)]
                m = p <= 0.5
                cum = plsc.cumsum(m.astype(jnp.int32))
                rank = base + cum - 1
                ok = jnp.logical_and(m, rank < _N)
                u = unc_v[pl.ds(v * _L, _L)]
                plsc.store_scatter(w_v, [rank], jnp.exp(-u), mask=ok)
                cnt_s[1] = cnt_s[1] + jnp.max(cum)

            return 0

        lax.fori_loop(0, _NVREG, body2, 0)

        pltpu.sync_copy(w_v, w_hbm.at[wid])


@jax.jit
def _sc_weights(prob, unc):
    mesh = plsc.VectorSubcoreMesh(core_axis_name="c", subcore_axis_name="s")
    return pl.kernel(
        _sc_weights_body,
        out_type=jax.ShapeDtypeStruct((_B, _N), jnp.float32),
        mesh=mesh,
        compiler_params=pltpu.CompilerParams(needs_layout_passes=False),
        scratch_types=[
            pltpu.VMEM((_HW,), jnp.float32),
            pltpu.VMEM((_HW,), jnp.float32),
            pltpu.VMEM((_N,), jnp.float32),
            pltpu.SMEM((2,), jnp.int32),
        ],
    )(prob, unc)



_C = 2048


def _tc_loss_body(x_ref, y_ref, p_ref, tx_ref, ty_ref, w_ref, out_ref):
    b = pl.program_id(0)
    tx = tx_ref[0]
    ty = ty_ref[0]
    inf = jnp.float32(jnp.inf)

    def body(i, acc):
        xc = x_ref[0, 0, pl.ds(i * _C, _C)]
        yc = y_ref[0, 0, pl.ds(i * _C, _C)]
        pc = p_ref[0, 0, pl.ds(i * _C, _C)]
        dx = tx - xc[None, :]
        dy = ty - yc[None, :]
        d2 = dx * dx + dy * dy
        d2 = jnp.where((pc > 0.5)[None, :], d2, inf)
        return jnp.minimum(acc, jnp.min(d2, axis=1, keepdims=True))

    dmin = lax.fori_loop(0, _HW // _C, body, jnp.full((_N, 1), inf))
    loss = jnp.sum(jnp.sqrt(dmin) * w_ref[0]) * (1.0 / (_N * _B))

    @pl.when(b == 0)
    def _():
        out_ref[...] = jnp.zeros((1, 1), jnp.float32)

    out_ref[...] = out_ref[...] + loss


@jax.jit
def _tc_loss(xs, ys, prob, txc, tyc, wc):
    return pl.pallas_call(
        _tc_loss_body,
        grid=(_B,),
        in_specs=[
            pl.BlockSpec((1, 1, _HW), lambda b: (b, 0, 0)),
            pl.BlockSpec((1, 1, _HW), lambda b: (b, 0, 0)),
            pl.BlockSpec((1, 1, _HW), lambda b: (b, 0, 0)),
            pl.BlockSpec((1, _N, 1), lambda b: (b, 0, 0)),
            pl.BlockSpec((1, _N, 1), lambda b: (b, 0, 0)),
            pl.BlockSpec((1, _N, 1), lambda b: (b, 0, 0)),
        ],
        out_specs=pl.BlockSpec((1, 1), lambda b: (0, 0)),
        out_shape=jax.ShapeDtypeStruct((1, 1), jnp.float32),
    )(xs, ys, prob, txc, tyc, wc)


def kernel(loc_pred, uncertainty, true_locations, prob_map):
    loc = loc_pred.reshape(_B, _HW, 2)
    xs = loc[:, :, 0].reshape(_B, 1, _HW)
    ys = loc[:, :, 1].reshape(_B, 1, _HW)
    prob = prob_map.reshape(_B, _HW)
    unc = uncertainty.reshape(_B, _HW)
    txc = true_locations[:, :, 0].reshape(_B, _N, 1)
    tyc = true_locations[:, :, 1].reshape(_B, _N, 1)
    w = _sc_weights(prob, unc)
    out = _tc_loss(xs, ys, prob.reshape(_B, 1, _HW), txc, tyc,
                   w.reshape(_B, _N, 1))
    return out[0, 0]

# --- scband reference (transcript-rebuilt; emitter-appended) ---
"""Pipeline reference for scband-localization-loss-32195074851366 (READ-ONLY COPY).

The authoritative reference and input builder live on the scoring server;
editing this copy changes nothing except your own understanding.
"""

import jax, jax.numpy as jnp
import numpy as np


def setup_inputs(seed: int = 0) -> dict:
    key = jax.random.key(seed)
    k1, k2, k3, k4 = jax.random.split(key, 4)
    B, H, W, N = 8, 128, 128, 64
    loc_pred = jax.random.normal(k1, (B, H, W, 2), dtype=jnp.float32)
    uncertainty = jax.random.normal(k2, (B, H, W, 1), dtype=jnp.float32)
    # uniform [0,1): all true locations are valid (>= 0), matching torch valid_mask all-True
    true_locations = jax.random.uniform(k3, (B, N, 2), dtype=jnp.float32)
    # uniform [0,1): ~50% of pixels exceed conf threshold 0.5, so the confident set is
    # always far larger than N and the degenerate branches never trigger
    prob_map = jax.random.uniform(k4, (B, 1, H, W), dtype=jnp.float32)
    return {"loc_pred": loc_pred, "uncertainty": uncertainty, "true_locations": true_locations, "prob_map": prob_map}


def reference(loc_pred, uncertainty, true_locations, prob_map):
    B, H, W, _ = loc_pred.shape
    N = true_locations.shape[1]
    HW = H * W
    total = 0.0
    for b in range(B):
        prob = prob_map[b, 0].reshape(HW)           # [HW]
        loc = loc_pred[b].reshape(HW, 2)            # [HW, 2]
        unc = uncertainty[b, :, :, 0].reshape(HW)   # [HW]
        tl = true_locations[b]                      # [N, 2] (all valid by construction)
        conf_mask = prob > 0.5                      # [HW], row-major order matches torch.nonzero
        # torch.cdist(conf_locs, valid_true_locs, p=2), computed densely then masked
        diff = loc[:, None, :] - tl[None, :, :]     # [HW, N, 2]
        dist = jnp.sqrt(jnp.sum(diff * diff, axis=-1))  # [HW, N]
        dist_masked = jnp.where(conf_mask[:, None], dist, jnp.inf)
        min_distances = jnp.min(dist_masked, axis=0)    # [N] min over confident preds
        # uncertainty_weights[:len(min_distances)] == exp(-unc) of the FIRST N confident
        # pixels in row-major order; stable argsort puts confident pixels first in order
        order = jnp.argsort(jnp.logical_not(conf_mask))
        uncertainty_weights = jnp.exp(-unc[order[:N]])
        loc_loss = jnp.mean(min_distances * uncertainty_weights)
        total = total + loc_loss
    return total / B

if __name__ == "__main__":
    import jax
    _d = setup_inputs()
    print(jax.jit(kernel)(*tuple(_d.values())))

</pallas_src>

<mosaic_0001>
#map = affine_map<(d0, d1) -> (0, 0)>
module attributes {stable_mosaic.version = 14 : i64} {
  func.func @_sc_weights_body(%arg0: i32, %arg1: i32, %arg2: memref<8x16384xf32, #tpu.memory_space<hbm>>, %arg3: memref<8x16384xf32, #tpu.memory_space<hbm>>, %arg4: memref<8x64xf32, #tpu.memory_space<hbm>>, %arg5: memref<16384xf32, #tpu.memory_space<vmem>>, %arg6: memref<16384xf32, #tpu.memory_space<vmem>>, %arg7: memref<64xf32, #tpu.memory_space<vmem>>, %arg8: memref<2xi32, #tpu.memory_space<smem>>) attributes {dimension_semantics = [#tpu.dimension_semantics<core_parallel>, #tpu.dimension_semantics<subcore_parallel>], iteration_bounds = array<i64: 2, 16>, scalar_prefetch = 0 : i64, scratch_operands = 4 : i64, tpu.core_type = #tpu.core_type<sc_vector_subcore>, window_params = [{transform_indices = #map}, {transform_indices = #map}, {transform_indices = #map}]} {
    %mul3A = arith.constant 2 : i32
    %mul3A_0 = arith.muli %arg1, %mul3A : i32
    %add3A = arith.addi %mul3A_0, %arg0 : i32
    %lt3A = arith.constant 8 : i32
    %lt3A_1 = arith.cmpi slt, %add3A, %lt3A : i32
    %convert_element_type3A = arith.extui %lt3A_1 : i1 to i32
    %cond3A = arith.constant 0 : i32
    %cond3A_2 = arith.cmpi ne, %convert_element_type3A, %cond3A : i32
    scf.if %cond3A_2 {
      "tpu.region"() ({
        %run_scoped3A = tpu.sem_alloc : memref<!tpu.dma_semaphore, #tpu.memory_space<semaphore_mem>>
        %dma_start3A = arith.constant 0 : i32
        %dma_start3A_23 = tpu.memref_slice %arg2[%add3A, %dma_start3A] : memref<8x16384xf32, #tpu.memory_space<hbm>> -> memref<1x16384xf32, #tpu.memory_space<hbm>>
        %dma_start3A_24 = tpu.memref_squeeze %dma_start3A_23 : memref<1x16384xf32, #tpu.memory_space<hbm>> -> memref<16384xf32, #tpu.memory_space<hbm>>
        %dma_start3A_25 = arith.constant 0 : i32
        %dma_start3A_26 = tpu.memref_slice %arg2[%add3A, %dma_start3A_25] : memref<8x16384xf32, #tpu.memory_space<hbm>> -> memref<1x16384xf32, #tpu.memory_space<hbm>>
        %dma_start3A_27 = tpu.memref_squeeze %dma_start3A_26 : memref<1x16384xf32, #tpu.memory_space<hbm>> -> memref<16384xf32, #tpu.memory_space<hbm>>
        tpu.enqueue_dma source(%dma_start3A_27 : memref<16384xf32, #tpu.memory_space<hbm>>) target(%arg5 : memref<16384xf32, #tpu.memory_space<vmem>>) target_semaphore(%run_scoped3A : memref<!tpu.dma_semaphore, #tpu.memory_space<semaphore_mem>>)
        %dma_wait3A = arith.constant 0 : i32
        %dma_wait3A_28 = tpu.memref_slice %arg2[%add3A, %dma_wait3A] : memref<8x16384xf32, #tpu.memory_space<hbm>> -> memref<1x16384xf32, #tpu.memory_space<hbm>>
        %dma_wait3A_29 = tpu.memref_squeeze %dma_wait3A_28 : memref<1x16384xf32, #tpu.memory_space<hbm>> -> memref<16384xf32, #tpu.memory_space<hbm>>
        %dma_wait3A_30 = arith.constant 0 : i32
        %dma_wait3A_31 = tpu.memref_slice %arg2[%add3A, %dma_wait3A_30] : memref<8x16384xf32, #tpu.memory_space<hbm>> -> memref<1x16384xf32, #tpu.memory_space<hbm>>
        %dma_wait3A_32 = tpu.memref_squeeze %dma_wait3A_31 : memref<1x16384xf32, #tpu.memory_space<hbm>> -> memref<16384xf32, #tpu.memory_space<hbm>>
        tpu.wait_dma2 semaphore(%run_scoped3A : memref<!tpu.dma_semaphore, #tpu.memory_space<semaphore_mem>>) src(%dma_wait3A_32 : memref<16384xf32, #tpu.memory_space<hbm>>) dst(%arg5 : memref<16384xf32, #tpu.memory_space<vmem>>)
        tpu.yield
      }) : () -> ()
      "tpu.region"() ({
        %run_scoped3A = tpu.sem_alloc : memref<!tpu.dma_semaphore, #tpu.memory_space<semaphore_mem>>
        %dma_start3A = arith.constant 0 : i32
        %dma_start3A_23 = tpu.memref_slice %arg3[%add3A, %dma_start3A] : memref<8x16384xf32, #tpu.memory_space<hbm>> -> memref<1x16384xf32, #tpu.memory_space<hbm>>
        %dma_start3A_24 = tpu.memref_squeeze %dma_start3A_23 : memref<1x16384xf32, #tpu.memory_space<hbm>> -> memref<16384xf32, #tpu.memory_space<hbm>>
        %dma_start3A_25 = arith.constant 0 : i32
        %dma_start3A_26 = tpu.memref_slice %arg3[%add3A, %dma_start3A_25] : memref<8x16384xf32, #tpu.memory_space<hbm>> -> memref<1x16384xf32, #tpu.memory_space<hbm>>
        %dma_start3A_27 = tpu.memref_squeeze %dma_start3A_26 : memref<1x16384xf32, #tpu.memory_space<hbm>> -> memref<16384xf32, #tpu.memory_space<hbm>>
        tpu.enqueue_dma source(%dma_start3A_27 : memref<16384xf32, #tpu.memory_space<hbm>>) target(%arg6 : memref<16384xf32, #tpu.memory_space<vmem>>) target_semaphore(%run_scoped3A : memref<!tpu.dma_semaphore, #tpu.memory_space<semaphore_mem>>)
        %dma_wait3A = arith.constant 0 : i32
        %dma_wait3A_28 = tpu.memref_slice %arg3[%add3A, %dma_wait3A] : memref<8x16384xf32, #tpu.memory_space<hbm>> -> memref<1x16384xf32, #tpu.memory_space<hbm>>
        %dma_wait3A_29 = tpu.memref_squeeze %dma_wait3A_28 : memref<1x16384xf32, #tpu.memory_space<hbm>> -> memref<16384xf32, #tpu.memory_space<hbm>>
        %dma_wait3A_30 = arith.constant 0 : i32
        %dma_wait3A_31 = tpu.memref_slice %arg3[%add3A, %dma_wait3A_30] : memref<8x16384xf32, #tpu.memory_space<hbm>> -> memref<1x16384xf32, #tpu.memory_space<hbm>>
        %dma_wait3A_32 = tpu.memref_squeeze %dma_wait3A_31 : memref<1x16384xf32, #tpu.memory_space<hbm>> -> memref<16384xf32, #tpu.memory_space<hbm>>
        tpu.wait_dma2 semaphore(%run_scoped3A : memref<!tpu.dma_semaphore, #tpu.memory_space<semaphore_mem>>) src(%dma_wait3A_32 : memref<16384xf32, #tpu.memory_space<hbm>>) dst(%arg6 : memref<16384xf32, #tpu.memory_space<vmem>>)
        tpu.yield
      }) : () -> ()
      %swap3A = arith.constant 0 : i32
      %swap3A_3 = arith.constant 0 : i32
      %swap3A_4 = arith.index_cast %swap3A_3 : i32 to index
      %swap3A_5 = memref.load %arg8[%swap3A_4] : memref<2xi32, #tpu.memory_space<smem>>
      memref.store %swap3A, %arg8[%swap3A_4] : memref<2xi32, #tpu.memory_space<smem>>
      %swap3A_6 = arith.constant 0 : i32
      %swap3A_7 = arith.constant 1 : i32
      %swap3A_8 = arith.index_cast %swap3A_7 : i32 to index
      %swap3A_9 = memref.load %arg8[%swap3A_8] : memref<2xi32, #tpu.memory_space<smem>>
      memref.store %swap3A_6, %arg8[%swap3A_8] : memref<2xi32, #tpu.memory_space<smem>>
      %scan3A = arith.constant 0 : i32
      %scan3A_10 = arith.constant 0 : i32
      %scan3A_11 = arith.constant 1024 : i32
      %scan3A_12 = arith.addi %scan3A_10, %scan3A_11 : i32
      %scan3A_13 = arith.constant 1 : i32
      %scan3A_14 = scf.for %scan3A_23 = %scan3A_10 to %scan3A_12 step %scan3A_13 iter_args(%scan3A_24 = %scan3A) -> (i32)  : i32 {
        %get3A = arith.constant 0 : i32
        %get3A_25 = arith.index_cast %get3A : i32 to index
        %get3A_26 = memref.load %arg8[%get3A_25] : memref<2xi32, #tpu.memory_space<smem>>
        %lt3A_27 = arith.constant 64 : i32
        %lt3A_28 = arith.cmpi slt, %get3A_26, %lt3A_27 : i32
        %convert_element_type3A_29 = arith.extui %lt3A_28 : i1 to i32
        %cond3A_30 = arith.constant 0 : i32
        %cond3A_31 = arith.cmpi ne, %convert_element_type3A_29, %cond3A_30 : i32
        scf.if %cond3A_31 {
          %get3A_33 = arith.constant 0 : i32
          %get3A_34 = arith.index_cast %get3A_33 : i32 to index
          %get3A_35 = memref.load %arg8[%get3A_34] : memref<2xi32, #tpu.memory_space<smem>>
          %mul3A_36 = arith.constant 16 : i32
          %mul3A_37 = arith.muli %scan3A_23, %mul3A_36 : i32
          %get3A_38 = arith.index_cast %mul3A_37 : i32 to index
          %get3A_39 = tpu.vector_load %arg5[%get3A_38] {strides = array<i32>} : memref<16384xf32, #tpu.memory_space<vmem>>, vector<16xf32>,
          %gt3A = arith.constant 5.000000e-01 : f32
          %gt3A_40 = vector.broadcast %gt3A : f32 to vector<16xf32>
          %gt3A_41 = arith.cmpf ogt, %get3A_39, %gt3A_40 : vector<16xf32>
          %convert_element_type3A_42 = arith.extui %gt3A_41 : vector<16xi1> to vector<16xi32>
          %broadcast_in_dim3A = arith.constant true
          %broadcast_in_dim3A_43 = vector.broadcast %broadcast_in_dim3A : i1 to vector<16xi1>
          %masked_cumsum3A = tpu.scan <sum>, %convert_element_type3A_42 masked %broadcast_in_dim3A_43 : vector<16xi32>, vector<16xi1> -> vector<16xi32>
          %add3A_44 = vector.broadcast %get3A_35 : i32 to vector<16xi32>
          %add3A_45 = arith.addi %add3A_44, %masked_cumsum3A : vector<16xi32>
          %sub3A = arith.constant 1 : i32
          %sub3A_46 = vector.broadcast %sub3A : i32 to vector<16xi32>
          %sub3A_47 = arith.subi %add3A_45, %sub3A_46 : vector<16xi32>
          %lt3A_48 = arith.constant 64 : i32
          %lt3A_49 = vector.broadcast %lt3A_48 : i32 to vector<16xi32>
          %lt3A_50 = arith.cmpi slt, %sub3A_47, %lt3A_49 : vector<16xi32>
          %and3A = arith.andi %gt3A_41, %lt3A_50 : vector<16xi1>
          %mul3A_51 = arith.constant 16 : i32
          %mul3A_52 = arith.muli %scan3A_23, %mul3A_51 : i32
          %get3A_53 = arith.index_cast %mul3A_52 : i32 to index
          %get3A_54 = tpu.vector_load %arg6[%get3A_53] {strides = array<i32>} : memref<16384xf32, #tpu.memory_space<vmem>>, vector<16xf32>,
          %neg3A = arith.constant 0.000000e+00 : f32
          %neg3A_55 = vector.broadcast %neg3A : f32 to vector<16xf32>
          %neg3A_56 = arith.subf %neg3A_55, %get3A_54 : vector<16xf32>
          %exp3A = math.exp %neg3A_56 : vector<16xf32>
          tpu.vector_store_idx %arg7[%sub3A_47], %exp3A masked %and3A : memref<64xf32, #tpu.memory_space<vmem>>[vector<16xi32>], vector<16xf32>, vector<16xi1>
          %reduce_max3A = arith.constant true
          %reduce_max3A_57 = vector.broadcast %reduce_max3A : i1 to vector<16xi1>
          %reduce_max3A_58 = arith.constant -2147483648 : i32
          %reduce_max3A_59 = vector.broadcast %reduce_max3A_58 : i32 to vector<16xi32>
          %reduce_max3A_60 = arith.xori %masked_cumsum3A, %reduce_max3A_59 : vector<16xi32>
          %reduce_max3A_61 = tpu.scan <max>, %reduce_max3A_60 masked %reduce_max3A_57 : vector<16xi32>, vector<16xi1> -> vector<16xi32>
          %reduce_max3A_62 = arith.xori %reduce_max3A_61, %reduce_max3A_59 : vector<16xi32>
          %reduce_max3A_63 = vector.extract %reduce_max3A_62[15] : i32 from vector<16xi32>
          %add3A_64 = arith.addi %get3A_35, %reduce_max3A_63 : i32
          %swap3A_65 = arith.constant 0 : i32
          %swap3A_66 = arith.index_cast %swap3A_65 : i32 to index
          %swap3A_67 = memref.load %arg8[%swap3A_66] : memref<2xi32, #tpu.memory_space<smem>>
          memref.store %add3A_64, %arg8[%swap3A_66] : memref<2xi32, #tpu.memory_space<smem>>
        } else {
        }
        %scan3A_32 = arith.constant 0 : i32
        scf.yield %scan3A_32 : i32
      }
      %scan3A_15 = arith.constant 1024 : i32
      %scan3A_16 = arith.constant 0 : i32
      %scan3A_17 = arith.constant 0 : i32
      %scan3A_18 = arith.constant 1024 : i32
      %scan3A_19 = arith.addi %scan3A_17, %scan3A_18 : i32
      %scan3A_20 = arith.constant 1 : i32
      %scan3A_21 = scf.for %scan3A_23 = %scan3A_17 to %scan3A_19 step %scan3A_20 iter_args(%scan3A_24 = %scan3A_16) -> (i32)  : i32 {
        %get3A = arith.constant 0 : i32
        %get3A_25 = arith.index_cast %get3A : i32 to index
        %get3A_26 = memref.load %arg8[%get3A_25] : memref<2xi32, #tpu.memory_space<smem>>
        %get3A_27 = arith.constant 1 : i32
        %get3A_28 = arith.index_cast %get3A_27 : i32 to index
        %get3A_29 = memref.load %arg8[%get3A_28] : memref<2xi32, #tpu.memory_space<smem>>
        %add3A_30 = arith.addi %get3A_26, %get3A_29 : i32
        %lt3A_31 = arith.constant 64 : i32
        %lt3A_32 = arith.cmpi slt, %add3A_30, %lt3A_31 : i32
        %convert_element_type3A_33 = arith.extui %lt3A_32 : i1 to i32
        %cond3A_34 = arith.constant 0 : i32
        %cond3A_35 = arith.cmpi ne, %convert_element_type3A_33, %cond3A_34 : i32
        scf.if %cond3A_35 {
          %get3A_37 = arith.constant 0 : i32
          %get3A_38 = arith.index_cast %get3A_37 : i32 to index
          %get3A_39 = memref.load %arg8[%get3A_38] : memref<2xi32, #tpu.memory_space<smem>>
          %get3A_40 = arith.constant 1 : i32
          %get3A_41 = arith.index_cast %get3A_40 : i32 to index
          %get3A_42 = memref.load %arg8[%get3A_41] : memref<2xi32, #tpu.memory_space<smem>>
          %add3A_43 = arith.addi %get3A_39, %get3A_42 : i32
          %mul3A_44 = arith.constant 16 : i32
          %mul3A_45 = arith.muli %scan3A_23, %mul3A_44 : i32
          %get3A_46 = arith.index_cast %mul3A_45 : i32 to index
          %get3A_47 = tpu.vector_load %arg5[%get3A_46] {strides = array<i32>} : memref<16384xf32, #tpu.memory_space<vmem>>, vector<16xf32>,
          %le3A = arith.constant 5.000000e-01 : f32
          %le3A_48 = vector.broadcast %le3A : f32 to vector<16xf32>
          %le3A_49 = arith.cmpf ole, %get3A_47, %le3A_48 : vector<16xf32>
          %convert_element_type3A_50 = arith.extui %le3A_49 : vector<16xi1> to vector<16xi32>
          %broadcast_in_dim3A = arith.constant true
          %broadcast_in_dim3A_51 = vector.broadcast %broadcast_in_dim3A : i1 to vector<16xi1>
          %masked_cumsum3A = tpu.scan <sum>, %convert_element_type3A_50 masked %broadcast_in_dim3A_51 : vector<16xi32>, vector<16xi1> -> vector<16xi32>
          %add3A_52 = vector.broadcast %add3A_43 : i32 to vector<16xi32>
          %add3A_53 = arith.addi %add3A_52, %masked_cumsum3A : vector<16xi32>
          %sub3A = arith.constant 1 : i32
          %sub3A_54 = vector.broadcast %sub3A : i32 to vector<16xi32>
          %sub3A_55 = arith.subi %add3A_53, %sub3A_54 : vector<16xi32>
          %lt3A_56 = arith.constant 64 : i32
          %lt3A_57 = vector.broadcast %lt3A_56 : i32 to vector<16xi32>
          %lt3A_58 = arith.cmpi slt, %sub3A_55, %lt3A_57 : vector<16xi32>
          %and3A = arith.andi %le3A_49, %lt3A_58 : vector<16xi1>
          %mul3A_59 = arith.constant 16 : i32
          %mul3A_60 = arith.muli %scan3A_23, %mul3A_59 : i32
          %get3A_61 = arith.index_cast %mul3A_60 : i32 to index
          %get3A_62 = tpu.vector_load %arg6[%get3A_61] {strides = array<i32>} : memref<16384xf32, #tpu.memory_space<vmem>>, vector<16xf32>,
          %neg3A = arith.constant 0.000000e+00 : f32
          %neg3A_63 = vector.broadcast %neg3A : f32 to vector<16xf32>
          %neg3A_64 = arith.subf %neg3A_63, %get3A_62 : vector<16xf32>
          %exp3A = math.exp %neg3A_64 : vector<16xf32>
          tpu.vector_store_idx %arg7[%sub3A_55], %exp3A masked %and3A : memref<64xf32, #tpu.memory_space<vmem>>[vector<16xi32>], vector<16xf32>, vector<16xi1>
          %get3A_65 = arith.constant 1 : i32
          %get3A_66 = arith.index_cast %get3A_65 : i32 to index
          %get3A_67 = memref.load %arg8[%get3A_66] : memref<2xi32, #tpu.memory_space<smem>>
          %reduce_max3A = arith.constant true
          %reduce_max3A_68 = vector.broadcast %reduce_max3A : i1 to vector<16xi1>
          %reduce_max3A_69 = arith.constant -2147483648 : i32
          %reduce_max3A_70 = vector.broadcast %reduce_max3A_69 : i32 to vector<16xi32>
          %reduce_max3A_71 = arith.xori %masked_cumsum3A, %reduce_max3A_70 : vector<16xi32>
          %reduce_max3A_72 = tpu.scan <max>, %reduce_max3A_71 masked %reduce_max3A_68 : vector<16xi32>, vector<16xi1> -> vector<16xi32>
          %reduce_max3A_73 = arith.xori %reduce_max3A_72, %reduce_max3A_70 : vector<16xi32>
          %reduce_max3A_74 = vector.extract %reduce_max3A_73[15] : i32 from vector<16xi32>
          %add3A_75 = arith.addi %get3A_67, %reduce_max3A_74 : i32
          %swap3A_76 = arith.constant 1 : i32
          %swap3A_77 = arith.index_cast %swap3A_76 : i32 to index
          %swap3A_78 = memref.load %arg8[%swap3A_77] : memref<2xi32, #tpu.memory_space<smem>>
          memref.store %add3A_75, %arg8[%swap3A_77] : memref<2xi32, #tpu.memory_space<smem>>
        } else {
        }
        %scan3A_36 = arith.constant 0 : i32
        scf.yield %scan3A_36 : i32
      }
      %scan3A_22 = arith.constant 1024 : i32
      "tpu.region"() ({
        %run_scoped3A = tpu.sem_alloc : memref<!tpu.dma_semaphore, #tpu.memory_space<semaphore_mem>>
        %dma_start3A = arith.constant 0 : i32
        %dma_start3A_23 = tpu.memref_slice %arg4[%add3A, %dma_start3A] : memref<8x64xf32, #tpu.memory_space<hbm>> -> memref<1x64xf32, #tpu.memory_space<hbm>>
        %dma_start3A_24 = tpu.memref_squeeze %dma_start3A_23 : memref<1x64xf32, #tpu.memory_space<hbm>> -> memref<64xf32, #tpu.memory_space<hbm>>
        %dma_start3A_25 = arith.constant 0 : i32
        %dma_start3A_26 = tpu.memref_slice %arg4[%add3A, %dma_start3A_25] : memref<8x64xf32, #tpu.memory_space<hbm>> -> memref<1x64xf32, #tpu.memory_space<hbm>>
        %dma_start3A_27 = tpu.memref_squeeze %dma_start3A_26 : memref<1x64xf32, #tpu.memory_space<hbm>> -> memref<64xf32, #tpu.memory_space<hbm>>
        tpu.enqueue_dma source(%arg7 : memref<64xf32, #tpu.memory_space<vmem>>) target(%dma_start3A_27 : memref<64xf32, #tpu.memory_space<hbm>>) target_semaphore(%run_scoped3A : memref<!tpu.dma_semaphore, #tpu.memory_space<semaphore_mem>>)
        %dma_wait3A = arith.constant 0 : i32
        %dma_wait3A_28 = tpu.memref_slice %arg4[%add3A, %dma_wait3A] : memref<8x64xf32, #tpu.memory_space<hbm>> -> memref<1x64xf32, #tpu.memory_space<hbm>>
        %dma_wait3A_29 = tpu.memref_squeeze %dma_wait3A_28 : memref<1x64xf32, #tpu.memory_space<hbm>> -> memref<64xf32, #tpu.memory_space<hbm>>
        %dma_wait3A_30 = arith.constant 0 : i32
        %dma_wait3A_31 = tpu.memref_slice %arg4[%add3A, %dma_wait3A_30] : memref<8x64xf32, #tpu.memory_space<hbm>> -> memref<1x64xf32, #tpu.memory_space<hbm>>
        %dma_wait3A_32 = tpu.memref_squeeze %dma_wait3A_31 : memref<1x64xf32, #tpu.memory_space<hbm>> -> memref<64xf32, #tpu.memory_space<hbm>>
        tpu.wait_dma2 semaphore(%run_scoped3A : memref<!tpu.dma_semaphore, #tpu.memory_space<semaphore_mem>>) src(%arg7 : memref<64xf32, #tpu.memory_space<vmem>>) dst(%dma_wait3A_32 : memref<64xf32, #tpu.memory_space<hbm>>)
        tpu.yield
      }) : () -> ()
    } else {
    }
    return
  }
}

</mosaic_0001>

<sc_bundles>
// kernel: _sc_weights.3.cloned.1.call-start
scs
__scs_entry_jumppad:
0x0: {  	(pc) =	sbr.rel $0x88, $3  }
0x1: {  	(tag) =	ssettag $0x0;
	lr =	simm.s32 $0x1  }
0x2: {  	[smem:$0x3F9F] =	sst lr;
	_ =	strace $0xD0000000  }
0x3: {  	_ = 	snop  }
0x4: {  	_ = 	snop  }
0x5: {  	_ = 	snop  }
0x6: {  	_ = 	snop  }
0x7: {  	_ = 	snop  }
__scs_overlays_trampoline_lowered:
0x8: {  	[smem:$0x3FAE] =	sst s0  }
0x9: {  	[smem:$0x3FAF] =	sst s1  }
0xa: {  	[smem:$0x3FB0] =	sst s2  }
0xb: {  	[smem:$0x3FB1] =	sst s3  }
0xc: {  	[smem:$0x3FB2] =	sst s4  }
0xd: {  	[smem:$0x3FB3] =	sst s5  }
0xe: {  	[smem:$0x3FB4] =	sst s6  }
0xf: {  	[smem:$0x3FB5] =	sst s7  }
0x10: {  	[smem:$0x3FB6] =	sst s8  }
0x11: {  	[smem:$0x3FB7] =	sst s9;
	s0 =	simm.s32 @!p0 $0x0  }
0x12: {  	s1 =	sld [smem:$0x3F9D];
	s0 =	simm.s32 @p0 $0x1  }
0x13: {  	[smem:$0x3FB8] =	sst s0;
	s0 =	simm.s32 @!p1 $0x0  }
0x14: {  	s2 =	sld [smem:$0x3F9C];
	s0 =	simm.s32 @p1 $0x1  }
0x15: {  	[smem:$0x3FB9] =	sst s0;
	s0 =	simm.s32 @!p2 $0x0  }
0x16: {  	s3 =	sld [smem:$0x3FDB];
	s0 =	simm.s32 @p2 $0x1  }
0x17: {  	s4 =	simm.s32 $0x1BF5;
	[smem:$0x3FBB] =	sst s0  }
0x18: {  	s0 =	sld [smem:$0x3F9E];
	_ =	swait.ge [sflag:s4], $0x0  }
0x19: {  	s7 =	sld [smem:$0x3F9F]  }
0x1a: {  	s8 =	sadd.s32 $0xFFFFE003, lr  }
0x1b: {  	s9 =	sadd.s32 $0xFFFFFEF7, lr;
	s5 =	simm.s32 $0xFFFFFFFF;
	p2 =	slt.u32 s8, $0xFFFFF086  }
0x1c: {  	p1 =	slt.u32 s9, $0xF7A;
	s5 =	simm.s32 @!p2 $0x0  }
0x1d: {  	s5 =	simm.s32 @p1 $0x1;
	p0 =	seq.s32 s7, s2  }
0x1e: {  	s7 =	smul.u32 @!p0 $0xF7A, s2;
	p2 =	seq.s32 @!p0 s5, $0x0  }
0x1f: {  	s9 =	smul.u32 $0xF7A, s1;
	s8 =	simm.s32 @!p0 $0x1BF5;
	p2 =	por !p2, p0  }
0x20: {  	[sflag:s8] =	ssyncset.s32 @!p0 $0xFFFFF086;
	s6 =	sadd.s32 @!p0 s3, s7;
	s7 =	simm.s32 @!p0 $0x108  }
0x21: {  	s3 =	sadd.s32 s3, s9;
	s6 =	sadd.s32 @!p0 $0x88, s6;
	s7 =	simm.s32 @p2 $0x1082  }
0x22: {  	[simem:s7], [sflag:s8] =	dma.local @!p0 [hbm:s6], $0xF7A  }
0x23: {  	s9 =	sor.u32 $0xD0000000, s2;
	s6 =	simm.s32 $0x108;
	_ =	swait.ge @!p0 [sflag:s8], $0x0  }
0x24: {  	s3 =	sadd.s32 $0x88, s3;
	s6 =	simm.s32 @!p1 $0x1082;
	[sflag:s4] =	ssyncset.s32 $0xFFFFF086  }
0x25: {  	[simem:s6], [sflag:s4] =	dma.local [hbm:s3], $0xF7A  }
0x26: {  	[smem:$0x3F9F] =	sst s1;
	(tag) =	ssettag s2;
	_ =	strace s9  }
0x27: {  	s1 =	sld [smem:$0x3FAF]  }
0x28: {  	s2 =	sld [smem:$0x3FB0]  }
0x29: {  	s4 =	sld [smem:$0x3FB2]  }
0x2a: {  	p0 =	seq.s32 s5, $0x0;
	s5 =	sld [smem:$0x3FB3]  }
0x2b: {  	s6 =	sld [smem:$0x3FB4]  }
0x2c: {  	s7 =	sld [smem:$0x3FB5]  }
0x2d: {  	s3 =	simm.s32 $0x108;
	s8 =	sld [smem:$0x3FB6]  }
0x2e: {  	s3 =	simm.s32 @!p0 $0x1082;
	s9 =	sld [smem:$0x3FB7]  }
0x2f: {  	lr =	sadd.s32 s0, s3;
	s0 =	sld [smem:$0x3FAE]  }
0x30: {  	s3 =	sld [smem:$0x3FB1]  }
0x31: {  	[smem:$0x3FBA] =	sst s10  }
0x32: {  	s10 =	sld [smem:$0x3FB8];
	_ =	sdelay $0x3  }
0x33: {  	p0 =	seq.s32 s10, $0x1;
	s10 =	sld [smem:$0x3FBA];
	_ =	sdelay $0x3  }
0x34: {  	[smem:$0x3FBA] =	sst s10  }
0x35: {  	s10 =	sld [smem:$0x3FB9];
	_ =	sdelay $0x3  }
0x36: {  	p1 =	seq.s32 s10, $0x1;
	s10 =	sld [smem:$0x3FBA];
	_ =	sdelay $0x3  }
0x37: {  	[smem:$0x3FBA] =	sst s10  }
0x38: {  	s10 =	sld [smem:$0x3FBB]  }
0x39: {  	_ = 	snop;
	(pc) =	sbr.ind lr, $3  }
0x3a: {  	_ = 	snop  }
0x3b: {  	_ = 	snop  }
0x3c: {  	p2 =	seq.s32 s10, $0x1;
	s10 =	sld [smem:$0x3FBA]  }
0x3d: {  	_ =	shalt  }
0x3e: {  	_ =	shalt  }
0x3f: {  	_ =	shalt  }
0x40: {  	_ =	shalt  }
0x41: {  	_ =	shalt  }
0x42: {  	_ =	shalt  }
0x43: {  	_ =	shalt  }
0x44: {  	_ =	shalt  }
0x45: {  	_ =	shalt  }
0x46: {  	_ =	shalt  }
0x47: {  	_ =	shalt  }
0x48: {  	_ =	shalt  }
0x49: {  	_ =	shalt  }
0x4a: {  	_ =	shalt  }
0x4b: {  	_ =	shalt  }
0x4c: {  	_ =	shalt  }
0x4d: {  	_ =	shalt  }
0x4e: {  	_ =	shalt  }
0x4f: {  	_ =	shalt  }
0x50: {  	_ =	shalt  }
0x51: {  	_ =	shalt  }
0x52: {  	_ =	shalt  }
0x53: {  	_ =	shalt  }
0x54: {  	_ =	shalt  }
0x55: {  	_ =	shalt  }
0x56: {  	_ =	shalt  }
0x57: {  	_ =	shalt  }
0x58: {  	_ =	shalt  }
0x59: {  	_ =	shalt  }
0x5a: {  	_ =	shalt  }
0x5b: {  	_ =	shalt  }
0x5c: {  	_ =	shalt  }
0x5d: {  	_ =	shalt  }
0x5e: {  	_ =	shalt  }
0x5f: {  	_ =	shalt  }
0x60: {  	_ =	shalt  }
0x61: {  	_ =	shalt  }
0x62: {  	_ =	shalt  }
0x63: {  	_ =	shalt  }
0x64: {  	_ =	shalt  }
0x65: {  	_ =	shalt  }
0x66: {  	_ =	shalt  }
0x67: {  	_ =	shalt  }
0x68: {  	_ =	shalt  }
0x69: {  	_ =	shalt  }
0x6a: {  	_ =	shalt  }
0x6b: {  	_ =	shalt  }
0x6c: {  	_ =	shalt  }
0x6d: {  	_ =	shalt  }
0x6e: {  	_ =	shalt  }
0x6f: {  	_ =	shalt  }
0x70: {  	_ =	shalt  }
0x71: {  	_ =	shalt  }
0x72: {  	_ =	shalt  }
0x73: {  	_ =	shalt  }
0x74: {  	_ =	shalt  }
0x75: {  	_ =	shalt  }
0x76: {  	_ =	shalt  }
0x77: {  	_ =	shalt  }
0x78: {  	_ =	shalt  }
0x79: {  	_ =	shalt  }
0x7a: {  	_ =	shalt  }
0x7b: {  	_ =	shalt  }
0x7c: {  	_ =	shalt  }
0x7d: {  	_ =	shalt  }
0x7e: {  	_ =	shalt  }
0x7f: {  	_ =	shalt  }
0x80: {  	_ =	shalt  }
0x81: {  	_ =	shalt  }
0x82: {  	_ =	shalt  }
0x83: {  	_ =	shalt  }
0x84: {  	_ =	shalt  }
0x85: {  	_ =	shalt  }
0x86: {  	_ =	shalt  }
0x87: {  	_ =	shalt  }
.Lfunc_end0:
.L_simem_size_0:
called_computation_lowered:
.L_overlay_start_0:
0x88: {  	s2 =	sld [smem:$0x3FD9]  }
0x89: {  	s3 =	sld [smem:$0x3FFE];
	_ =	sdelay $0x1  }
0x8a: {  	s1 =	srdreg.scid  }
0x8b: {  	s0 =	sand.u32 $0x1, s1  }
0x8c: {  	s18 =	sshll.u32 s0, $0xA;
	s2 =	sadd.s32 s3, s2  }
0x8d: {  	s2 =	sadd.s32 s2, s18  }
0x8e: {  	[smem:$0x3FC6] =	sst s2  }
0x8f: {  	_ = 	snop  }
0x90: {  	s2 =	sld [smem:$0x3FC9]  }
0x91: {  	s19 =	sld [smem:$0x3FC8]  }
0x92: {  	s4 =	sld [smem:$0x3FD0];
	(tm) =	ssettm $0x1  }
0x93: {  	s5 =	sld [smem:$0x3FFB];
	_ =	sdelay $0x3  }
0x94: {  	_ =	strace s5  }
0x95: {  	s5 =	sld [smem:$0x3FFC];
	_ =	sdelay $0x3  }
0x96: {  	_ =	strace s5  }
0x97: {  	s5 =	sld [smem:$0x3FFD];
	_ =	sdelay $0x3  }
0x98: {  	_ =	strace s5  }
0x99: {  	_ =	strace $0x8FFFFFFF  }
0x9a: {  	s20 =	sld [smem:$0x3FDB];
	_ =	sdelay $0x1  }
0x9b: {  	s6 =	simm.s32 $_scs_section_size  }
0x9c: {  	s7 =	simm.s32 $_size__tile_overlayer_lowered;
	s8 =	simm.s32 $_tile_overlayer_lowered  }
0x9d: {  	s23 =	simm.s32 $0x1BFF;
	s22 =	sshll.u32 s8, $0x1;
	s5 =	sadd.s32 s6, s20  }
0x9e: {  	s9 =	simm.s32 $0x0;
	s21 =	sshll.u32 s7, $0x1;
	s7 =	sadd.s32 s22, s5  }
0x9f: {  	[timem:s9], [sflag:s23] =	dma.local [hbm:s7], s21  }
0xa0: {  	_ =	swait.ge [sflag:s23], s21  }
0xa1: {  	s6 =	ssub.s32 $0x0, s21;
	[sflag:s23] =	ssyncset.done $0x0  }
0xa2: {  	[sflag:s23] =	ssyncadd.s32 s6;
	_ =	sdelay $0x1  }
0xa3: {  	s24 =	simm.s32 $0x1B8B  }
0xa4: {  	_ =	swait.ge [sflag:s24], $0x1  }
0xa5: {  	[sflag:s24] =	ssyncset.done $0x0  }
0xa6: {  	s25 =	simm.s32 $0x1B8E;
	[sflag:s24] =	ssyncadd.s32 $0xFFFFFFFF  }
0xa7: {  	s26 =	simm.s32 $execute0_lowered;
	[smem:$0x3FD2] =	sst s25  }
0xa8: {  	s6 =	sshll.u32 s26, $0x1;
	_ =	strace $0x80000046;
	[dreg:$0x1] =	wrdreg $0xFFFFFFFF  }
0xa9: {  	s28 =	simm.s32 $_size_execute0_lowered;
	s5 =	sadd.s32 s5, s6;
	[dreg:$0x0] =	wrdreg $0x0  }
0xaa: {  	s6 =	sshll.u32 s28, $0x1;
	[dreg:$0x2] =	wrdreg s5  }
0xab: {  	[dreg:$0x3] =	wrdreg s6  }
0xac: {  	[dreg:$0x4] =	wrdreg $0xC0  }
0xad: {  	_ =	task [dreg:s9], $0x5FFFF  }
0xae: {  	[dreg:$0x1] =	wrdreg $0xFFFFFFFF  }
0xaf: {  	[dreg:$0x0] =	wrdreg $0x60  }
0xb0: {  	[dreg:$0x2] =	wrdreg s2  }
0xb1: {  	[dreg:$0x3] =	wrdreg s19  }
0xb2: {  	[dreg:$0x4] =	wrdreg s4  }
0xb3: {  	[dreg:$0x5] =	wrdreg $0x9  }
0xb4: {  	_ =	task.clear_ibuf [dreg:s9], $0x6FFFF;
	_ =	strace $0x90000046  }
0xb5: {  	s29 =	simm.s32 $0x9;
	_ =	strace $0x80000048  }
0xb6: {  	_ =	swait.ge [sflag:s29], $0x1  }
0xb7: {  	[sflag:s29] =	ssyncadd.s32 $0xFFFFFFFF  }
0xb8: {  	_ =	strace $0x90000048  }
0xb9: {  	_ =	sfence  }
0xba: {  	s30 =	sld [smem:$0x0];
	_ =	sdelay $0x2  }
0xbb: {  	s31 =	sshll.u32 s1, $0xD;
	s1 =	sshrl.u32 s1, $0x2  }
0xbc: {  	s3 =	sand.u32 $0x4000, s31;
	s1 =	sadd.s32 s1, s30  }
0xbd: {  	s0 =	sor.u32 s3, s0;
	s1 =	sshll.u32 s1, $0x11  }
0xbe: {  	s0 =	sor.u32 s1, s0  }
0xbf: {  	s0 =	sadd.s32 $0x8F2B, s0  }
0xc0: {  	[sflag:s0] =	ssyncadd.remote.s32 $0x1  }
0xc1: {  	_ =	sfence.sel $0xFFFF  }
0xc2: {  	[dreg:$0x0] =	wrdreg $0xFFFFFFFF;
	(pc) =	sbr.abs _section_cstart, $3  }
0xc3: {  	[dreg:$0x1] =	wrdreg $0xFFFFFFFF  }
0xc4: {  	_ =	task.clear_ibuf [dreg:s9], $0x2FFFF;
	_ =	strace $0x9FFFFFFF  }
0xc5: {  	(tm) =	ssettm $0x7FFFFFFF  }
tec
execute0_lowered:
.L_overlay_start_1:
0x0: {  	(tag) =	ssettag $0x1  }
0x1: {  	s1 =	stileid.u32  }
0x2: {  	p0 =	sgt.u32 s1, $0x3  }
.Ltmp0:
0x3: {  	s5 =	rddreg [dreg:$0x0];
	(pc) =	sbr.rel @p0 .LBB2_7-.Ltmp0, $4  }
0x4: {  	s3 =	rddreg [dreg:$0x1]  }
0x5: {  	s4 =	rddreg [dreg:$0x2];
	s2 =	simm.s32 $0x0  }
0x6: {  	[smem:$0x7FF] =	sst s2  }
0x7: {  	s0 =	rddreg [dreg:$0x3];
	_ =	strace $0x80000047  }
0x8: {  	s6 =	srdreg.scid;
	s7 =	sshll.u32 s1, $0x5;
	s9 =	simm.s32 $0x1  }
0x9: {  	s10 =	simm.s32 $0x4000;
	s11 =	simm.s32 $0x8000;
	s6 =	sand.u32 $0x1, s6  }
0xa: {  	s12 =	simm.s32 $0x0;
	s8 =	sshll.u32 s6, $0x4;
	s6 =	ssub.s32 $0x2, s6  }
0xb: {  	s7 =	sor.u32 s8, s7;
	s31 =	sshrl.u32 s6, $0x1;
	s8 =	simm.s32 $0x400  }
0xc: {  	s3 =	sadd.s32 s3, s7;
	s6 =	ssub.s32 s6, s31;
	s4 =	sadd.s32 s4, s7  }
0xd: {  	s5 =	sadd.s32 s5, s7;
	s7 =	simm.s32 $0x80;
	s6 =	smax.u32 s6, $0x1  }
.LBB2_2:
0xe: {  	s13 =	simm.s32 $0x0  }
0xf: {  	[tilespmem:s13], [sflag:$0x1] =	stream.strided.gather [hbm4b:s5+s7], $0x4000, s8, s7, $0x38;
	[tilespmem:$0x8080] =	vst v63  }
0x10: {  	_ =	swait.ge [sflag:s9], $0x4000  }
0x11: {  	[sflag:s9] =	ssyncset.done $0x0  }
0x12: {  	[sflag:s9] =	ssyncadd.s32 $0xFFFFC000  }
0x13: {  	[tilespmem:s10], [sflag:$0x1] =	stream.strided.gather [hbm4b:s3+s7], $0x4000, s8, s7, $0x38;
	[tilespmem:$0x8080] =	vst v63  }
0x14: {  	_ =	swait.ge [sflag:s9], $0x4000  }
0x15: {  	p0 =	por $0x0, $0x0;
	[sflag:s9] =	ssyncset.done $0x0  }
0x16: {  	s14 =	simm.s32 @!p0 $0x0;
	[sflag:s9] =	ssyncadd.s32 $0xFFFFC000  }
0x17: {  	v0 =	vld @!p0 [tilespmem:s14+$0x0];
	_ =	sdelay $0x4  }
0x18: {  	vm0 =	vgt.f32 @!p0 v0, $5.000000000e-01;
	v0 =	vimm.s32 @!p0 $0x0  }
0x19: {  	v0 =	vsel @!p0 vm0, $0x1, v0  }
0x1a: {  	(xrf0) =	vadd.scan.msk.s32 @!p0 $0xffff, v0;
	_ =	sdelay $0x5  }
0x1b: {  	v0, _, _ =	vpop @!p0 (xrf0)  }
0x1c: {  	v1 =	vxor.u32 @!p0 $0x80000000, v0  }
0x1d: {  	(xrf0) =	vmax.scan.msk.u32 @!p0 $0xffff, v1;
	_ =	sdelay $0x4  }
0x1e: {  	v1 =	vld @!p0 [tilespmem:s14+$0x4000]  }
0x1f: {  	v2, _, _ =	vpop @!p0 (xrf0)  }
0x20: {  	(v2sf) =	vpush @!p0 v2, $0xF;
	_ =	sdelay $0x2  }
0x21: {  	v1 =	vsub.f32 @!p0 $0.0e+00, v1;
	_ =	sdelay $0x1  }
0x22: {  	v2 =	vmov @!p0 s13;
	v1 =	vmul.f32 @!p0 $1.442695020e+00, v1  }
0x23: {  	v2 =	vadd.s32 @!p0 $0xFFFFFFFF, v2  }
0x24: {  	v2 =	vbroadcast @!p0 v2, $0x0;
	(erf) = vpow2.f32 @!p0 v1;
	_ =	sdelay $0x1  }
0x25: {  	v0 =	vadd.s32 @!p0 v0, v2  }
0x26: {  	vm1 =	vlt.s32 @!p0 v0, $0x40  }
0x27: {  	vm0 =	vmand @!p0 vm0, vm1;
	_ =	sdelay $0x3  }
0x28: {  	s15 =	simm.s32 $0x40;
	s14 =	spop @!p0 (v2sf)  }
0x29: {  	s16 =	simm.s32 @!p0 $0x8000;
	[smem:$0x0] =	sst s13;
	v1 =	vpop @!p0 (erf);
	s14 =	sadd.s32 @!p0 $0x0, s14  }
0x2a: {  	[smem:$0x1] =	sst s13;
	[tilespmem:v0+s16+$0x0] =	vst.idx.msk @!p0 vm0, v1;
	s16 =	simm.s32 $0x0;
	s14 =	sadd.s32 @!p0 $0x80000000, s14  }
.LBB2_3:
0x2b: {  	s17 =	smov.u32 s16  }
0x2c: {  	s16 =	smov.u32 s14;
	[smem:$0x0] =	sst @!p0 s14  }
0x2d: {  	s16 =	smov.u32 @p0 s17;
	s14 =	smov.u32 s15;
	s15 =	sadd.s32 $0x40, s15  }
0x2e: {  	p0 =	sgt.s32 s16, $0x3F;
	p1 =	sne.s32 s15, $0x10000  }
0x2f: {  	s14 =	sshra.s32 @!p0 s14, $0x2;
	v0 =	vmov @!p0 s16  }
0x30: {  	v1 =	vld @!p0 [tilespmem:s14+$0x0];
	v0 =	vadd.s32 @!p0 $0xFFFFFFFF, v0  }
0x31: {  	v0 =	vbroadcast @!p0 v0, $0x0;
	v2 =	vld @!p0 [tilespmem:s14+$0x4000];
	_ =	sdelay $0x3  }
0x32: {  	vm0 =	vgt.f32 @!p0 v1, $5.000000000e-01;
	v1 =	vimm.s32 @!p0 $0x0  }
0x33: {  	v1 =	vsel @!p0 vm0, $0x1, v1;
	v2 =	vsub.f32 @!p0 $0.0e+00, v2  }
0x34: {  	(xrf0) =	vadd.scan.msk.s32 @!p0 $0xffff, v1  }
0x35: {  	v1 =	vmul.f32 @!p0 $1.442695020e+00, v2;
	_ =	sdelay $0x2  }
0x36: {  	(erf) = vpow2.f32 @!p0 v1;
	_ =	sdelay $0x1  }
0x37: {  	v1, _, _ =	vpop @!p0 (xrf0)  }
0x38: {  	v0 =	vadd.s32 @!p0 v1, v0;
	v1 =	vxor.u32 @!p0 $0x80000000, v1  }
0x39: {  	vm1 =	vlt.s32 @!p0 v0, $0x40;
	(xrf0) =	vmax.scan.msk.u32 @!p0 $0xffff, v1  }
0x3a: {  	vm0 =	vmand @!p0 vm0, vm1;
	_ =	sdelay $0x3  }
0x3b: {  	v1 =	vpop @!p0 (erf)  }
0x3c: {  	s14 =	simm.s32 @!p0 $0x8000;
	v2, _, _ =	vpop @!p0 (xrf0)  }
0x3d: {  	[tilespmem:v0+s14+$0x0] =	vst.idx.msk @!p0 vm0, v1;
	(v2sf) =	vpush @!p0 v2, $0xF;
	_ =	sdelay $0xc  }
.Ltmp1:
0x3e: {  	(pc) =	sbr.rel @p1 .LBB2_3-.Ltmp1, $4  }
0x3f: {  	_ = 	snop  }
0x40: {  	s14 =	spop @!p0 (v2sf)  }
0x41: {  	s14 =	sadd.s32 @!p0 s14, s16  }
0x42: {  	s14 =	sadd.s32 @!p0 $0x80000000, s14  }
0x43: {  	[smem:$0x0] =	sst @!p0 s14;
	s14 =	smov.u32 @p0 s16  }
0x44: {  	s15 =	sadd.s32 $0x0, s14  }
0x45: {  	p0 =	sgt.s32 s15, $0x3F  }
0x46: {  	s16 =	simm.s32 @!p0 $0x0  }
0x47: {  	v0 =	vld @!p0 [tilespmem:s16+$0x0];
	_ =	sdelay $0x4  }
0x48: {  	vm0 =	vle.f32 @!p0 v0, $5.000000000e-01;
	v0 =	vimm.s32 @!p0 $0x0  }
0x49: {  	v0 =	vsel @!p0 vm0, $0x1, v0  }
0x4a: {  	(xrf0) =	vadd.scan.msk.s32 @!p0 $0xffff, v0;
	_ =	sdelay $0x5  }
0x4b: {  	v0, _, _ =	vpop @!p0 (xrf0)  }
0x4c: {  	v1 =	vxor.u32 @!p0 $0x80000000, v0  }
0x4d: {  	(xrf0) =	vmax.scan.msk.u32 @!p0 $0xffff, v1;
	_ =	sdelay $0x4  }
0x4e: {  	v1 =	vld @!p0 [tilespmem:s16+$0x4000]  }
0x4f: {  	v2, _, _ =	vpop @!p0 (xrf0)  }
0x50: {  	(v2sf) =	vpush @!p0 v2, $0xF;
	_ =	sdelay $0x2  }
0x51: {  	v1 =	vsub.f32 @!p0 $0.0e+00, v1;
	_ =	sdelay $0x1  }
0x52: {  	v2 =	vmov @!p0 s15;
	v1 =	vmul.f32 @!p0 $1.442695020e+00, v1  }
0x53: {  	v2 =	vadd.s32 @!p0 $0xFFFFFFFF, v2  }
0x54: {  	v2 =	vbroadcast @!p0 v2, $0x0;
	(erf) = vpow2.f32 @!p0 v1;
	_ =	sdelay $0x1  }
0x55: {  	v0 =	vadd.s32 @!p0 v0, v2  }
0x56: {  	vm1 =	vlt.s32 @!p0 v0, $0x40  }
0x57: {  	vm0 =	vmand @!p0 vm0, vm1;
	_ =	sdelay $0x3  }
0x58: {  	s15 =	spop @!p0 (v2sf)  }
0x59: {  	s16 =	simm.s32 @!p0 $0x8000;
	v1 =	vpop @!p0 (erf);
	s17 =	sadd.s32 @!p0 $0x0, s15  }
0x5a: {  	[tilespmem:v0+s16+$0x0] =	vst.idx.msk @!p0 vm0, v1;
	s15 =	simm.s32 $0x40;
	s16 =	sadd.s32 @!p0 $0x80000000, s17  }
.LBB2_5:
0x5b: {  	s17 =	smov.u32 s13  }
0x5c: {  	s13 =	smov.u32 s16;
	[smem:$0x1] =	sst @!p0 s16  }
0x5d: {  	s13 =	smov.u32 @p0 s17;
	s16 =	smov.u32 s15;
	s15 =	sadd.s32 $0x40, s15  }
0x5e: {  	s17 =	sadd.s32 s14, s13;
	p1 =	sne.s32 s15, $0x10000  }
0x5f: {  	p0 =	sgt.s32 s17, $0x3F  }
0x60: {  	s16 =	sshra.s32 @!p0 s16, $0x2;
	v0 =	vmov @!p0 s17  }
0x61: {  	v1 =	vld @!p0 [tilespmem:s16+$0x0];
	v0 =	vadd.s32 @!p0 $0xFFFFFFFF, v0  }
0x62: {  	v0 =	vbroadcast @!p0 v0, $0x0;
	v2 =	vld @!p0 [tilespmem:s16+$0x4000];
	_ =	sdelay $0x3  }
0x63: {  	vm0 =	vle.f32 @!p0 v1, $5.000000000e-01;
	v1 =	vimm.s32 @!p0 $0x0  }
0x64: {  	v1 =	vsel @!p0 vm0, $0x1, v1;
	v2 =	vsub.f32 @!p0 $0.0e+00, v2  }
0x65: {  	(xrf0) =	vadd.scan.msk.s32 @!p0 $0xffff, v1  }
0x66: {  	v1 =	vmul.f32 @!p0 $1.442695020e+00, v2;
	_ =	sdelay $0x2  }
0x67: {  	(erf) = vpow2.f32 @!p0 v1;
	_ =	sdelay $0x1  }
0x68: {  	v1, _, _ =	vpop @!p0 (xrf0)  }
0x69: {  	v0 =	vadd.s32 @!p0 v1, v0;
	v1 =	vxor.u32 @!p0 $0x80000000, v1  }
0x6a: {  	vm1 =	vlt.s32 @!p0 v0, $0x40;
	(xrf0) =	vmax.scan.msk.u32 @!p0 $0xffff, v1  }
0x6b: {  	vm0 =	vmand @!p0 vm0, vm1;
	_ =	sdelay $0x3  }
0x6c: {  	v1 =	vpop @!p0 (erf)  }
0x6d: {  	s16 =	simm.s32 @!p0 $0x8000;
	v2, _, _ =	vpop @!p0 (xrf0)  }
0x6e: {  	[tilespmem:v0+s16+$0x0] =	vst.idx.msk @!p0 vm0, v1;
	(v2sf) =	vpush @!p0 v2, $0xF;
	_ =	sdelay $0xc  }
.Ltmp2:
0x6f: {  	(pc) =	sbr.rel @p1 .LBB2_5-.Ltmp2, $4  }
0x70: {  	_ = 	snop  }
0x71: {  	s16 =	spop @!p0 (v2sf)  }
0x72: {  	s16 =	sadd.s32 @!p0 s16, s13  }
0x73: {  	s16 =	sadd.s32 @!p0 $0x80000000, s16  }
0x74: {  	s12 =	sadd.s32 $0x1, s12  }
0x75: {  	[smem:$0x1] =	sst @!p0 s16;
	p0 =	sne.s32 s12, s6  }
.Ltmp3:
0x76: {  	_ = 	snop;
	(pc) =	sbr.rel @p0 .LBB2_2-.Ltmp3, $4  }
0x77: {  	[hbm4b:s4+s2] =	stream.linear.scatter [tilespmem:s11], [sflag:$0x1], $0x80, $0x38;
	[tilespmem:$0x8080] =	vst v63  }
0x78: {  	_ =	swait.ge [sflag:s9], $0x80  }
0x79: {  	[sflag:s9] =	ssyncset.done $0x0  }
0x7a: {  	[sflag:s9] =	ssyncadd.s32 $0xFFFFFF80  }
.LBB2_7:
0x7b: {  	_ =	sfence.sel $0x180000  }
0x7c: {  	[bflag:$0x0] =	sbarrier.arrive $0xFFFF  }
0x7d: {  	p0 =	sne.s32 s1, $0x0;
	_ =	strace $0x90000047  }
0x7e: {  	s0 =	sadd.s32 @!p0 $0x100000, s0;
	[bflag:$0x2] =	sbarrier.arrive $0xFFFF  }
0x7f: {  	[sflag:s0] =	ssyncadd.tile.s32 @!p0 $0x1;
	_ =	shalt  }
.Lfunc_end2:
_tile_overlayer_lowered:
.L_overlay_start_2:
0x80: {  	(tag) =	ssettag $0x2  }
0x81: {  	s0 =	rddreg [dreg:$0x0];
	s2 =	stileid.u32  }
0x82: {  	s1 =	rddreg [dreg:$0x1];
	p0 =	sne.s32 s2, $0x0  }
0x83: {  	s3 =	rddreg [dreg:$0x2];
	[bflag:$0x3] =	sbarrier.arrive $0xFFFF;
	s2 =	simm.s32 @!p0 $0x1C01  }
0x84: {  	[timem:s3], [sflag:s2] =	dma.local @!p0 [hbm:s0], s1  }
0x85: {  	s0 =	simm.s32 @!p0 $0x1  }
0x86: {  	_ =	swait.ge @!p0 [sflag:s0], s1  }
0x87: {  	s1 =	ssub.s32 @!p0 $0x0, s1;
	[sflag:s0] =	ssyncset.done @!p0 $0x0  }
0x88: {  	[sflag:s0] =	ssyncadd.s32 @!p0 s1  }
0x89: {  	[bflag:$0x3] =	sbarrier.arrive $0xFFFF  }
0x8a: {  	_ =	shalt  }

</sc_bundles>
